<compile_context>
chip_gen: v7x
topology: tpu7x:2x2x1
jax: 0.10.2.dev20260603
libtpu: 0.0.44.dev20260713+nightly
codegen_flags: <defaults>
</compile_context>

<pallas_src>
import functools

import jax
import jax.numpy as jnp
from jax import lax
from jax.experimental import pallas as pl
from jax.experimental.pallas import tpu as pltpu
from jax.experimental.pallas import tpu_sc as plsc

_N_SRC = 4
_SIZE = 262144
_DELAY = 32
_BUF_LEN = _DELAY + 1

_LANE = 128
_NCB = _SIZE // _LANE

_info = plsc.get_sparse_core_info()
_NC, _NS, _NL = _info.num_cores, _info.num_subcores, _info.num_lanes
_NW = _NC * _NS
_CBW = _NCB // _NW
_HALF = _CBW // 2


def _sc_body(ptr_hbm, buf_hbm, out_hbm, idx_v, a_v, b_v, sem_a, sem_b):
    wid = lax.axis_index("s") * _NC + lax.axis_index("c")
    base = wid * _CBW
    pltpu.sync_copy(ptr_hbm, idx_v.at[pl.ds(0, 1)])
    ptr = idx_v[...][0]
    slot = (ptr + 2) % _BUF_LEN
    rd_a = pltpu.async_copy(buf_hbm.at[slot, pl.ds(base, _HALF)], a_v, sem_a)
    rd_b = pltpu.async_copy(
        buf_hbm.at[slot, pl.ds(base + _HALF, _HALF)], b_v, sem_b)
    rd_a.wait()
    wr_a = pltpu.async_copy(a_v, out_hbm.at[pl.ds(base, _HALF)], sem_a)
    rd_b.wait()
    wr_b = pltpu.async_copy(b_v, out_hbm.at[pl.ds(base + _HALF, _HALF)], sem_b)
    wr_a.wait()
    wr_b.wait()


_sc_slice = functools.partial(
    pl.kernel,
    out_type=jax.ShapeDtypeStruct((_NCB, _N_SRC, _LANE), jnp.float32),
    mesh=plsc.VectorSubcoreMesh(core_axis_name="c", subcore_axis_name="s"),
    scratch_types=[
        pltpu.VMEM((_NL,), jnp.int32),
        pltpu.VMEM((_HALF, _N_SRC, _LANE), jnp.float32),
        pltpu.VMEM((_HALF, _N_SRC, _LANE), jnp.float32),
        pltpu.SemaphoreType.DMA,
        pltpu.SemaphoreType.DMA,
    ],
)(_sc_body)


def kernel(spikes, buffer, ptr):
    del spikes
    ptr_arr = jnp.asarray(ptr, jnp.int32).reshape(1)
    buf4 = buffer.reshape(_N_SRC, _BUF_LEN, _NCB, _LANE).transpose(1, 2, 0, 3)
    out4 = _sc_slice(ptr_arr, buf4)
    return out4.transpose(1, 0, 2).reshape(_N_SRC, _SIZE)

# --- scband reference (transcript-rebuilt; emitter-appended) ---
"""Pipeline reference for scband-axonal-projection-146028888480 (READ-ONLY COPY).

The authoritative reference and input builder live on the scoring server;
editing this copy changes nothing except your own understanding.
"""

import jax, jax.numpy as jnp
import numpy as np

N_SRC = 4
SIZE = 262144
DELAY_STEPS = 32
BUF_LEN = DELAY_STEPS + 1

def setup_inputs(seed: int = 0) -> dict:
    key = jax.random.key(seed)
    k1, k2 = jax.random.split(key)
    # spikes are boolean in the original module; we use {0,1} float32 so the
    # scatter/gather pipeline is differentiable in the fwdbwd variant.
    spikes = (jax.random.uniform(k1, (N_SRC, SIZE)) < 0.05).astype(jnp.float32)
    buffer = (jax.random.uniform(k2, (N_SRC, BUF_LEN, SIZE)) < 0.05).astype(jnp.float32)
    return {"spikes": spikes, "buffer": buffer, "ptr": 7}

def reference(spikes, buffer, ptr):
    # write_and_advance: scatter-overwrite current spikes for every source at
    # the circular write pointer, then advance the pointer.
    D = buffer.shape[1]
    write_idx = ptr % D
    buf2 = buffer.at[:, write_idx, :].set(spikes)
    new_ptr = (ptr + 1) % D
    # read_delayed_outputs: gather the slot written DELAY_STEPS steps ago.
    read_idx = (new_ptr - DELAY_STEPS) % D
    delayed = buf2[:, read_idx, :]
    return delayed

if __name__ == "__main__":
    import jax
    _d = setup_inputs()
    print(jax.jit(kernel)(*tuple(_d.values())))

</pallas_src>

<mosaic_0001>
#map = affine_map<(d0, d1) -> (0)>
#map1 = affine_map<(d0, d1) -> (0, 0, 0, 0)>
#map2 = affine_map<(d0, d1) -> (0, 0, 0)>
module attributes {stable_mosaic.version = 14 : i64} {
  func.func @_sc_body(%arg0: i32, %arg1: i32, %arg2: memref<1xi32, #tpu.memory_space<hbm>>, %arg3: memref<33x2048x4x128xf32, #tpu.memory_space<hbm>>, %arg4: memref<2048x4x128xf32, #tpu.memory_space<hbm>>, %arg5: memref<16xi32, #tpu.memory_space<vmem>>, %arg6: memref<32x4x128xf32, #tpu.memory_space<vmem>>, %arg7: memref<32x4x128xf32, #tpu.memory_space<vmem>>, %arg8: memref<!tpu.dma_semaphore, #tpu.memory_space<semaphore_mem>>, %arg9: memref<!tpu.dma_semaphore, #tpu.memory_space<semaphore_mem>>) attributes {dimension_semantics = [#tpu.dimension_semantics<core_parallel>, #tpu.dimension_semantics<subcore_parallel>], iteration_bounds = array<i64: 2, 16>, scalar_prefetch = 0 : i64, scratch_operands = 5 : i64, tpu.core_type = #tpu.core_type<sc_vector_subcore>, window_params = [{transform_indices = #map}, {transform_indices = #map1}, {transform_indices = #map2}]} {
    %mul3A = arith.constant 2 : i32
    %mul3A_0 = arith.muli %arg1, %mul3A : i32
    %add3A = arith.addi %mul3A_0, %arg0 : i32
    %mul3A_1 = arith.constant 64 : i32
    %mul3A_2 = arith.muli %add3A, %mul3A_1 : i32
    "tpu.region"() ({
      %run_scoped3A = tpu.sem_alloc : memref<!tpu.dma_semaphore, #tpu.memory_space<semaphore_mem>>
      %dma_start3A_74 = arith.constant 0 : i32
      %dma_start3A_75 = tpu.memref_slice %arg5[%dma_start3A_74] : memref<16xi32, #tpu.memory_space<vmem>> -> memref<1xi32, #tpu.memory_space<vmem>>
      %dma_start3A_76 = arith.constant 0 : i32
      %dma_start3A_77 = tpu.memref_slice %arg5[%dma_start3A_76] : memref<16xi32, #tpu.memory_space<vmem>> -> memref<1xi32, #tpu.memory_space<vmem>>
      tpu.enqueue_dma source(%arg2 : memref<1xi32, #tpu.memory_space<hbm>>) target(%dma_start3A_77 : memref<1xi32, #tpu.memory_space<vmem>>) target_semaphore(%run_scoped3A : memref<!tpu.dma_semaphore, #tpu.memory_space<semaphore_mem>>)
      %dma_wait3A_78 = arith.constant 0 : i32
      %dma_wait3A_79 = tpu.memref_slice %arg5[%dma_wait3A_78] : memref<16xi32, #tpu.memory_space<vmem>> -> memref<1xi32, #tpu.memory_space<vmem>>
      %dma_wait3A_80 = arith.constant 0 : i32
      %dma_wait3A_81 = tpu.memref_slice %arg5[%dma_wait3A_80] : memref<16xi32, #tpu.memory_space<vmem>> -> memref<1xi32, #tpu.memory_space<vmem>>
      tpu.wait_dma2 semaphore(%run_scoped3A : memref<!tpu.dma_semaphore, #tpu.memory_space<semaphore_mem>>) src(%arg2 : memref<1xi32, #tpu.memory_space<hbm>>) dst(%dma_wait3A_81 : memref<1xi32, #tpu.memory_space<vmem>>)
      tpu.yield
    }) : () -> ()
    %get3A = arith.constant 0 : index
    %get3A_3 = tpu.vector_load %arg5[%get3A] {strides = array<i32>} : memref<16xi32, #tpu.memory_space<vmem>>, vector<16xi32>,
    %get3A_4 = vector.shape_cast %get3A_3 : vector<16xi32> to vector<16xi32>
    %slice3A = vector.extract_strided_slice %get3A_4 {offsets = [0], sizes = [1], strides = [1]} : vector<16xi32> to vector<1xi32>
    %squeeze3A = vector.extract %slice3A[0] : i32 from vector<1xi32>
    %add3A_5 = arith.constant 2 : i32
    %add3A_6 = arith.addi %squeeze3A, %add3A_5 : i32
    %jit3A = arith.constant 33 : i32
    %eq3A = arith.constant 0 : i32
    %eq3A_7 = arith.cmpi eq, %jit3A, %eq3A : i32
    %jit3A_8 = arith.constant 1 : i32
    %select_n3A = arith.select %eq3A_7, %jit3A_8, %jit3A : i32
    %rem3A = arith.remsi %add3A_6, %select_n3A : i32
    %ne3A = arith.constant 0 : i32
    %ne3A_9 = arith.cmpi ne, %rem3A, %ne3A : i32
    %lt3A = arith.constant 0 : i32
    %lt3A_10 = arith.cmpi slt, %rem3A, %lt3A : i32
    %lt3A_11 = arith.constant 0 : i32
    %lt3A_12 = arith.cmpi slt, %select_n3A, %lt3A_11 : i32
    %ne3A_13 = arith.xori %lt3A_10, %lt3A_12 : i1
    %and3A = arith.andi %ne3A_13, %ne3A_9 : i1
    %add3A_14 = arith.addi %rem3A, %select_n3A : i32
    %select_n3A_15 = arith.select %and3A, %add3A_14, %rem3A : i32
    %dma_start3A = arith.constant 0 : i32
    %dma_start3A_16 = arith.constant 0 : i32
    %dma_start3A_17 = tpu.memref_slice %arg3[%select_n3A_15, %mul3A_2, %dma_start3A, %dma_start3A_16] : memref<33x2048x4x128xf32, #tpu.memory_space<hbm>> -> memref<1x32x4x128xf32, #tpu.memory_space<hbm>>
    %dma_start3A_18 = tpu.memref_squeeze %dma_start3A_17 : memref<1x32x4x128xf32, #tpu.memory_space<hbm>> -> memref<32x4x128xf32, #tpu.memory_space<hbm>>
    %dma_start3A_19 = arith.constant 0 : i32
    %dma_start3A_20 = arith.constant 0 : i32
    %dma_start3A_21 = tpu.memref_slice %arg3[%select_n3A_15, %mul3A_2, %dma_start3A_19, %dma_start3A_20] : memref<33x2048x4x128xf32, #tpu.memory_space<hbm>> -> memref<1x32x4x128xf32, #tpu.memory_space<hbm>>
    %dma_start3A_22 = tpu.memref_squeeze %dma_start3A_21 : memref<1x32x4x128xf32, #tpu.memory_space<hbm>> -> memref<32x4x128xf32, #tpu.memory_space<hbm>>
    tpu.enqueue_dma source(%dma_start3A_22 : memref<32x4x128xf32, #tpu.memory_space<hbm>>) target(%arg6 : memref<32x4x128xf32, #tpu.memory_space<vmem>>) target_semaphore(%arg8 : memref<!tpu.dma_semaphore, #tpu.memory_space<semaphore_mem>>)
    %add3A_23 = arith.constant 32 : i32
    %add3A_24 = arith.addi %mul3A_2, %add3A_23 : i32
    %dma_start3A_25 = arith.constant 0 : i32
    %dma_start3A_26 = arith.constant 0 : i32
    %dma_start3A_27 = tpu.memref_slice %arg3[%select_n3A_15, %add3A_24, %dma_start3A_25, %dma_start3A_26] : memref<33x2048x4x128xf32, #tpu.memory_space<hbm>> -> memref<1x32x4x128xf32, #tpu.memory_space<hbm>>
    %dma_start3A_28 = tpu.memref_squeeze %dma_start3A_27 : memref<1x32x4x128xf32, #tpu.memory_space<hbm>> -> memref<32x4x128xf32, #tpu.memory_space<hbm>>
    %dma_start3A_29 = arith.constant 0 : i32
    %dma_start3A_30 = arith.constant 0 : i32
    %dma_start3A_31 = tpu.memref_slice %arg3[%select_n3A_15, %add3A_24, %dma_start3A_29, %dma_start3A_30] : memref<33x2048x4x128xf32, #tpu.memory_space<hbm>> -> memref<1x32x4x128xf32, #tpu.memory_space<hbm>>
    %dma_start3A_32 = tpu.memref_squeeze %dma_start3A_31 : memref<1x32x4x128xf32, #tpu.memory_space<hbm>> -> memref<32x4x128xf32, #tpu.memory_space<hbm>>
    tpu.enqueue_dma source(%dma_start3A_32 : memref<32x4x128xf32, #tpu.memory_space<hbm>>) target(%arg7 : memref<32x4x128xf32, #tpu.memory_space<vmem>>) target_semaphore(%arg9 : memref<!tpu.dma_semaphore, #tpu.memory_space<semaphore_mem>>)
    %dma_wait3A = arith.constant 0 : i32
    %dma_wait3A_33 = arith.constant 0 : i32
    %dma_wait3A_34 = tpu.memref_slice %arg3[%select_n3A_15, %mul3A_2, %dma_wait3A, %dma_wait3A_33] : memref<33x2048x4x128xf32, #tpu.memory_space<hbm>> -> memref<1x32x4x128xf32, #tpu.memory_space<hbm>>
    %dma_wait3A_35 = tpu.memref_squeeze %dma_wait3A_34 : memref<1x32x4x128xf32, #tpu.memory_space<hbm>> -> memref<32x4x128xf32, #tpu.memory_space<hbm>>
    %dma_wait3A_36 = arith.constant 0 : i32
    %dma_wait3A_37 = arith.constant 0 : i32
    %dma_wait3A_38 = tpu.memref_slice %arg3[%select_n3A_15, %mul3A_2, %dma_wait3A_36, %dma_wait3A_37] : memref<33x2048x4x128xf32, #tpu.memory_space<hbm>> -> memref<1x32x4x128xf32, #tpu.memory_space<hbm>>
    %dma_wait3A_39 = tpu.memref_squeeze %dma_wait3A_38 : memref<1x32x4x128xf32, #tpu.memory_space<hbm>> -> memref<32x4x128xf32, #tpu.memory_space<hbm>>
    tpu.wait_dma2 semaphore(%arg8 : memref<!tpu.dma_semaphore, #tpu.memory_space<semaphore_mem>>) src(%dma_wait3A_39 : memref<32x4x128xf32, #tpu.memory_space<hbm>>) dst(%arg6 : memref<32x4x128xf32, #tpu.memory_space<vmem>>)
    %dma_start3A_40 = arith.constant 0 : i32
    %dma_start3A_41 = arith.constant 0 : i32
    %dma_start3A_42 = tpu.memref_slice %arg4[%mul3A_2, %dma_start3A_40, %dma_start3A_41] : memref<2048x4x128xf32, #tpu.memory_space<hbm>> -> memref<32x4x128xf32, #tpu.memory_space<hbm>>
    %dma_start3A_43 = arith.constant 0 : i32
    %dma_start3A_44 = arith.constant 0 : i32
    %dma_start3A_45 = tpu.memref_slice %arg4[%mul3A_2, %dma_start3A_43, %dma_start3A_44] : memref<2048x4x128xf32, #tpu.memory_space<hbm>> -> memref<32x4x128xf32, #tpu.memory_space<hbm>>
    tpu.enqueue_dma source(%arg6 : memref<32x4x128xf32, #tpu.memory_space<vmem>>) target(%dma_start3A_45 : memref<32x4x128xf32, #tpu.memory_space<hbm>>) target_semaphore(%arg8 : memref<!tpu.dma_semaphore, #tpu.memory_space<semaphore_mem>>)
    %dma_wait3A_46 = arith.constant 0 : i32
    %dma_wait3A_47 = arith.constant 0 : i32
    %dma_wait3A_48 = tpu.memref_slice %arg3[%select_n3A_15, %add3A_24, %dma_wait3A_46, %dma_wait3A_47] : memref<33x2048x4x128xf32, #tpu.memory_space<hbm>> -> memref<1x32x4x128xf32, #tpu.memory_space<hbm>>
    %dma_wait3A_49 = tpu.memref_squeeze %dma_wait3A_48 : memref<1x32x4x128xf32, #tpu.memory_space<hbm>> -> memref<32x4x128xf32, #tpu.memory_space<hbm>>
    %dma_wait3A_50 = arith.constant 0 : i32
    %dma_wait3A_51 = arith.constant 0 : i32
    %dma_wait3A_52 = tpu.memref_slice %arg3[%select_n3A_15, %add3A_24, %dma_wait3A_50, %dma_wait3A_51] : memref<33x2048x4x128xf32, #tpu.memory_space<hbm>> -> memref<1x32x4x128xf32, #tpu.memory_space<hbm>>
    %dma_wait3A_53 = tpu.memref_squeeze %dma_wait3A_52 : memref<1x32x4x128xf32, #tpu.memory_space<hbm>> -> memref<32x4x128xf32, #tpu.memory_space<hbm>>
    tpu.wait_dma2 semaphore(%arg9 : memref<!tpu.dma_semaphore, #tpu.memory_space<semaphore_mem>>) src(%dma_wait3A_53 : memref<32x4x128xf32, #tpu.memory_space<hbm>>) dst(%arg7 : memref<32x4x128xf32, #tpu.memory_space<vmem>>)
    %add3A_54 = arith.constant 32 : i32
    %add3A_55 = arith.addi %mul3A_2, %add3A_54 : i32
    %dma_start3A_56 = arith.constant 0 : i32
    %dma_start3A_57 = arith.constant 0 : i32
    %dma_start3A_58 = tpu.memref_slice %arg4[%add3A_55, %dma_start3A_56, %dma_start3A_57] : memref<2048x4x128xf32, #tpu.memory_space<hbm>> -> memref<32x4x128xf32, #tpu.memory_space<hbm>>
    %dma_start3A_59 = arith.constant 0 : i32
    %dma_start3A_60 = arith.constant 0 : i32
    %dma_start3A_61 = tpu.memref_slice %arg4[%add3A_55, %dma_start3A_59, %dma_start3A_60] : memref<2048x4x128xf32, #tpu.memory_space<hbm>> -> memref<32x4x128xf32, #tpu.memory_space<hbm>>
    tpu.enqueue_dma source(%arg7 : memref<32x4x128xf32, #tpu.memory_space<vmem>>) target(%dma_start3A_61 : memref<32x4x128xf32, #tpu.memory_space<hbm>>) target_semaphore(%arg9 : memref<!tpu.dma_semaphore, #tpu.memory_space<semaphore_mem>>)
    %dma_wait3A_62 = arith.constant 0 : i32
    %dma_wait3A_63 = arith.constant 0 : i32
    %dma_wait3A_64 = tpu.memref_slice %arg4[%mul3A_2, %dma_wait3A_62, %dma_wait3A_63] : memref<2048x4x128xf32, #tpu.memory_space<hbm>> -> memref<32x4x128xf32, #tpu.memory_space<hbm>>
    %dma_wait3A_65 = arith.constant 0 : i32
    %dma_wait3A_66 = arith.constant 0 : i32
    %dma_wait3A_67 = tpu.memref_slice %arg4[%mul3A_2, %dma_wait3A_65, %dma_wait3A_66] : memref<2048x4x128xf32, #tpu.memory_space<hbm>> -> memref<32x4x128xf32, #tpu.memory_space<hbm>>
    tpu.wait_dma2 semaphore(%arg8 : memref<!tpu.dma_semaphore, #tpu.memory_space<semaphore_mem>>) src(%arg6 : memref<32x4x128xf32, #tpu.memory_space<vmem>>) dst(%dma_wait3A_67 : memref<32x4x128xf32, #tpu.memory_space<hbm>>)
    %dma_wait3A_68 = arith.constant 0 : i32
    %dma_wait3A_69 = arith.constant 0 : i32
    %dma_wait3A_70 = tpu.memref_slice %arg4[%add3A_55, %dma_wait3A_68, %dma_wait3A_69] : memref<2048x4x128xf32, #tpu.memory_space<hbm>> -> memref<32x4x128xf32, #tpu.memory_space<hbm>>
    %dma_wait3A_71 = arith.constant 0 : i32
    %dma_wait3A_72 = arith.constant 0 : i32
    %dma_wait3A_73 = tpu.memref_slice %arg4[%add3A_55, %dma_wait3A_71, %dma_wait3A_72] : memref<2048x4x128xf32, #tpu.memory_space<hbm>> -> memref<32x4x128xf32, #tpu.memory_space<hbm>>
    tpu.wait_dma2 semaphore(%arg9 : memref<!tpu.dma_semaphore, #tpu.memory_space<semaphore_mem>>) src(%arg7 : memref<32x4x128xf32, #tpu.memory_space<vmem>>) dst(%dma_wait3A_73 : memref<32x4x128xf32, #tpu.memory_space<hbm>>)
    return
  }
}

</mosaic_0001>

<sc_bundles>
// kernel: kernel.3.cloned.1.call-start
scs
__scs_entry_jumppad:
0x0: {  	(pc) =	sbr.rel $0x88, $3  }
0x1: {  	(tag) =	ssettag $0x0;
	lr =	simm.s32 $0x1  }
0x2: {  	[smem:$0x3F9F] =	sst lr;
	_ =	strace $0xD0000000  }
0x3: {  	_ = 	snop  }
0x4: {  	_ = 	snop  }
0x5: {  	_ = 	snop  }
0x6: {  	_ = 	snop  }
0x7: {  	_ = 	snop  }
__scs_overlays_trampoline_lowered:
0x8: {  	[smem:$0x3FAE] =	sst s0  }
0x9: {  	[smem:$0x3FAF] =	sst s1  }
0xa: {  	[smem:$0x3FB0] =	sst s2  }
0xb: {  	[smem:$0x3FB1] =	sst s3  }
0xc: {  	[smem:$0x3FB2] =	sst s4  }
0xd: {  	[smem:$0x3FB3] =	sst s5  }
0xe: {  	[smem:$0x3FB4] =	sst s6  }
0xf: {  	[smem:$0x3FB5] =	sst s7  }
0x10: {  	[smem:$0x3FB6] =	sst s8  }
0x11: {  	[smem:$0x3FB7] =	sst s9;
	s0 =	simm.s32 @!p0 $0x0  }
0x12: {  	s1 =	sld [smem:$0x3F9D];
	s0 =	simm.s32 @p0 $0x1  }
0x13: {  	[smem:$0x3FB8] =	sst s0;
	s0 =	simm.s32 @!p1 $0x0  }
0x14: {  	s2 =	sld [smem:$0x3F9C];
	s0 =	simm.s32 @p1 $0x1  }
0x15: {  	[smem:$0x3FB9] =	sst s0;
	s0 =	simm.s32 @!p2 $0x0  }
0x16: {  	s3 =	sld [smem:$0x3FDB];
	s0 =	simm.s32 @p2 $0x1  }
0x17: {  	s4 =	simm.s32 $0x1BF5;
	[smem:$0x3FBB] =	sst s0  }
0x18: {  	s0 =	sld [smem:$0x3F9E];
	_ =	swait.ge [sflag:s4], $0x0  }
0x19: {  	s7 =	sld [smem:$0x3F9F]  }
0x1a: {  	s8 =	sadd.s32 $0xFFFFE003, lr  }
0x1b: {  	s9 =	sadd.s32 $0xFFFFFEF7, lr;
	s5 =	simm.s32 $0xFFFFFFFF;
	p2 =	slt.u32 s8, $0xFFFFF086  }
0x1c: {  	p1 =	slt.u32 s9, $0xF7A;
	s5 =	simm.s32 @!p2 $0x0  }
0x1d: {  	s5 =	simm.s32 @p1 $0x1;
	p0 =	seq.s32 s7, s2  }
0x1e: {  	s7 =	smul.u32 @!p0 $0xF7A, s2;
	p2 =	seq.s32 @!p0 s5, $0x0  }
0x1f: {  	s9 =	smul.u32 $0xF7A, s1;
	s8 =	simm.s32 @!p0 $0x1BF5;
	p2 =	por !p2, p0  }
0x20: {  	[sflag:s8] =	ssyncset.s32 @!p0 $0xFFFFF086;
	s6 =	sadd.s32 @!p0 s3, s7;
	s7 =	simm.s32 @!p0 $0x108  }
0x21: {  	s3 =	sadd.s32 s3, s9;
	s6 =	sadd.s32 @!p0 $0x88, s6;
	s7 =	simm.s32 @p2 $0x1082  }
0x22: {  	[simem:s7], [sflag:s8] =	dma.local @!p0 [hbm:s6], $0xF7A  }
0x23: {  	s9 =	sor.u32 $0xD0000000, s2;
	s6 =	simm.s32 $0x108;
	_ =	swait.ge @!p0 [sflag:s8], $0x0  }
0x24: {  	s3 =	sadd.s32 $0x88, s3;
	s6 =	simm.s32 @!p1 $0x1082;
	[sflag:s4] =	ssyncset.s32 $0xFFFFF086  }
0x25: {  	[simem:s6], [sflag:s4] =	dma.local [hbm:s3], $0xF7A  }
0x26: {  	[smem:$0x3F9F] =	sst s1;
	(tag) =	ssettag s2;
	_ =	strace s9  }
0x27: {  	s1 =	sld [smem:$0x3FAF]  }
0x28: {  	s2 =	sld [smem:$0x3FB0]  }
0x29: {  	s4 =	sld [smem:$0x3FB2]  }
0x2a: {  	p0 =	seq.s32 s5, $0x0;
	s5 =	sld [smem:$0x3FB3]  }
0x2b: {  	s6 =	sld [smem:$0x3FB4]  }
0x2c: {  	s7 =	sld [smem:$0x3FB5]  }
0x2d: {  	s3 =	simm.s32 $0x108;
	s8 =	sld [smem:$0x3FB6]  }
0x2e: {  	s3 =	simm.s32 @!p0 $0x1082;
	s9 =	sld [smem:$0x3FB7]  }
0x2f: {  	lr =	sadd.s32 s0, s3;
	s0 =	sld [smem:$0x3FAE]  }
0x30: {  	s3 =	sld [smem:$0x3FB1]  }
0x31: {  	[smem:$0x3FBA] =	sst s10  }
0x32: {  	s10 =	sld [smem:$0x3FB8];
	_ =	sdelay $0x3  }
0x33: {  	p0 =	seq.s32 s10, $0x1;
	s10 =	sld [smem:$0x3FBA];
	_ =	sdelay $0x3  }
0x34: {  	[smem:$0x3FBA] =	sst s10  }
0x35: {  	s10 =	sld [smem:$0x3FB9];
	_ =	sdelay $0x3  }
0x36: {  	p1 =	seq.s32 s10, $0x1;
	s10 =	sld [smem:$0x3FBA];
	_ =	sdelay $0x3  }
0x37: {  	[smem:$0x3FBA] =	sst s10  }
0x38: {  	s10 =	sld [smem:$0x3FBB]  }
0x39: {  	_ = 	snop;
	(pc) =	sbr.ind lr, $3  }
0x3a: {  	_ = 	snop  }
0x3b: {  	_ = 	snop  }
0x3c: {  	p2 =	seq.s32 s10, $0x1;
	s10 =	sld [smem:$0x3FBA]  }
0x3d: {  	_ =	shalt  }
0x3e: {  	_ =	shalt  }
0x3f: {  	_ =	shalt  }
0x40: {  	_ =	shalt  }
0x41: {  	_ =	shalt  }
0x42: {  	_ =	shalt  }
0x43: {  	_ =	shalt  }
0x44: {  	_ =	shalt  }
0x45: {  	_ =	shalt  }
0x46: {  	_ =	shalt  }
0x47: {  	_ =	shalt  }
0x48: {  	_ =	shalt  }
0x49: {  	_ =	shalt  }
0x4a: {  	_ =	shalt  }
0x4b: {  	_ =	shalt  }
0x4c: {  	_ =	shalt  }
0x4d: {  	_ =	shalt  }
0x4e: {  	_ =	shalt  }
0x4f: {  	_ =	shalt  }
0x50: {  	_ =	shalt  }
0x51: {  	_ =	shalt  }
0x52: {  	_ =	shalt  }
0x53: {  	_ =	shalt  }
0x54: {  	_ =	shalt  }
0x55: {  	_ =	shalt  }
0x56: {  	_ =	shalt  }
0x57: {  	_ =	shalt  }
0x58: {  	_ =	shalt  }
0x59: {  	_ =	shalt  }
0x5a: {  	_ =	shalt  }
0x5b: {  	_ =	shalt  }
0x5c: {  	_ =	shalt  }
0x5d: {  	_ =	shalt  }
0x5e: {  	_ =	shalt  }
0x5f: {  	_ =	shalt  }
0x60: {  	_ =	shalt  }
0x61: {  	_ =	shalt  }
0x62: {  	_ =	shalt  }
0x63: {  	_ =	shalt  }
0x64: {  	_ =	shalt  }
0x65: {  	_ =	shalt  }
0x66: {  	_ =	shalt  }
0x67: {  	_ =	shalt  }
0x68: {  	_ =	shalt  }
0x69: {  	_ =	shalt  }
0x6a: {  	_ =	shalt  }
0x6b: {  	_ =	shalt  }
0x6c: {  	_ =	shalt  }
0x6d: {  	_ =	shalt  }
0x6e: {  	_ =	shalt  }
0x6f: {  	_ =	shalt  }
0x70: {  	_ =	shalt  }
0x71: {  	_ =	shalt  }
0x72: {  	_ =	shalt  }
0x73: {  	_ =	shalt  }
0x74: {  	_ =	shalt  }
0x75: {  	_ =	shalt  }
0x76: {  	_ =	shalt  }
0x77: {  	_ =	shalt  }
0x78: {  	_ =	shalt  }
0x79: {  	_ =	shalt  }
0x7a: {  	_ =	shalt  }
0x7b: {  	_ =	shalt  }
0x7c: {  	_ =	shalt  }
0x7d: {  	_ =	shalt  }
0x7e: {  	_ =	shalt  }
0x7f: {  	_ =	shalt  }
0x80: {  	_ =	shalt  }
0x81: {  	_ =	shalt  }
0x82: {  	_ =	shalt  }
0x83: {  	_ =	shalt  }
0x84: {  	_ =	shalt  }
0x85: {  	_ =	shalt  }
0x86: {  	_ =	shalt  }
0x87: {  	_ =	shalt  }
.Lfunc_end0:
.L_simem_size_0:
called_computation_lowered:
.L_overlay_start_0:
0x88: {  	s2 =	sld [smem:$0x3FD9]  }
0x89: {  	s3 =	sld [smem:$0x3FFE];
	_ =	sdelay $0x1  }
0x8a: {  	s1 =	srdreg.scid  }
0x8b: {  	s0 =	sand.u32 $0x1, s1  }
0x8c: {  	s18 =	sshll.u32 s0, $0xA;
	s2 =	sadd.s32 s3, s2  }
0x8d: {  	s2 =	sadd.s32 s2, s18  }
0x8e: {  	[smem:$0x3FC6] =	sst s2  }
0x8f: {  	_ = 	snop  }
0x90: {  	s2 =	sld [smem:$0x3FC9]  }
0x91: {  	s19 =	sld [smem:$0x3FC8]  }
0x92: {  	s4 =	sld [smem:$0x3FD0];
	(tm) =	ssettm $0x1  }
0x93: {  	s5 =	sld [smem:$0x3FFB];
	_ =	sdelay $0x3  }
0x94: {  	_ =	strace s5  }
0x95: {  	s5 =	sld [smem:$0x3FFC];
	_ =	sdelay $0x3  }
0x96: {  	_ =	strace s5  }
0x97: {  	s5 =	sld [smem:$0x3FFD];
	_ =	sdelay $0x3  }
0x98: {  	_ =	strace s5  }
0x99: {  	_ =	strace $0x8FFFFFFF  }
0x9a: {  	s20 =	sld [smem:$0x3FDB];
	_ =	sdelay $0x1  }
0x9b: {  	s6 =	simm.s32 $_scs_section_size  }
0x9c: {  	s7 =	simm.s32 $_size__tile_overlayer_lowered;
	s8 =	simm.s32 $_tile_overlayer_lowered  }
0x9d: {  	s23 =	simm.s32 $0x1BFF;
	s22 =	sshll.u32 s8, $0x1;
	s5 =	sadd.s32 s6, s20  }
0x9e: {  	s9 =	simm.s32 $0x0;
	s21 =	sshll.u32 s7, $0x1;
	s7 =	sadd.s32 s22, s5  }
0x9f: {  	[timem:s9], [sflag:s23] =	dma.local [hbm:s7], s21  }
0xa0: {  	_ =	swait.ge [sflag:s23], s21  }
0xa1: {  	s6 =	ssub.s32 $0x0, s21;
	[sflag:s23] =	ssyncset.done $0x0  }
0xa2: {  	[sflag:s23] =	ssyncadd.s32 s6;
	_ =	sdelay $0x1  }
0xa3: {  	s24 =	simm.s32 $0x1B8B  }
0xa4: {  	_ =	swait.ge [sflag:s24], $0x1  }
0xa5: {  	[sflag:s24] =	ssyncset.done $0x0  }
0xa6: {  	s25 =	simm.s32 $0x1B8E;
	[sflag:s24] =	ssyncadd.s32 $0xFFFFFFFF  }
0xa7: {  	s26 =	simm.s32 $execute0_lowered;
	[smem:$0x3FD2] =	sst s25  }
0xa8: {  	s6 =	sshll.u32 s26, $0x1;
	_ =	strace $0x80000046;
	[dreg:$0x1] =	wrdreg $0xFFFFFFFF  }
0xa9: {  	s28 =	simm.s32 $_size_execute0_lowered;
	s5 =	sadd.s32 s5, s6;
	[dreg:$0x0] =	wrdreg $0x0  }
0xaa: {  	s6 =	sshll.u32 s28, $0x1;
	[dreg:$0x2] =	wrdreg s5  }
0xab: {  	[dreg:$0x3] =	wrdreg s6  }
0xac: {  	[dreg:$0x4] =	wrdreg $0xC0  }
0xad: {  	_ =	task [dreg:s9], $0x5FFFF  }
0xae: {  	[dreg:$0x1] =	wrdreg $0xFFFFFFFF  }
0xaf: {  	[dreg:$0x0] =	wrdreg $0x60  }
0xb0: {  	[dreg:$0x2] =	wrdreg s19  }
0xb1: {  	[dreg:$0x3] =	wrdreg s2  }
0xb2: {  	[dreg:$0x4] =	wrdreg s4  }
0xb3: {  	[dreg:$0x5] =	wrdreg $0x9  }
0xb4: {  	_ =	task.clear_ibuf [dreg:s9], $0x6FFFF;
	_ =	strace $0x90000046  }
0xb5: {  	s29 =	simm.s32 $0x9;
	_ =	strace $0x80000048  }
0xb6: {  	_ =	swait.ge [sflag:s29], $0x1  }
0xb7: {  	[sflag:s29] =	ssyncadd.s32 $0xFFFFFFFF  }
0xb8: {  	_ =	strace $0x90000048  }
0xb9: {  	_ =	sfence  }
0xba: {  	s30 =	sld [smem:$0x0];
	_ =	sdelay $0x2  }
0xbb: {  	s31 =	sshll.u32 s1, $0xD;
	s1 =	sshrl.u32 s1, $0x2  }
0xbc: {  	s3 =	sand.u32 $0x4000, s31;
	s1 =	sadd.s32 s1, s30  }
0xbd: {  	s0 =	sor.u32 s3, s0;
	s1 =	sshll.u32 s1, $0x11  }
0xbe: {  	s0 =	sor.u32 s1, s0  }
0xbf: {  	s0 =	sadd.s32 $0x8F2B, s0  }
0xc0: {  	[sflag:s0] =	ssyncadd.remote.s32 $0x1  }
0xc1: {  	_ =	sfence.sel $0xFFFF  }
0xc2: {  	[dreg:$0x0] =	wrdreg $0xFFFFFFFF;
	(pc) =	sbr.abs _section_cstart, $3  }
0xc3: {  	[dreg:$0x1] =	wrdreg $0xFFFFFFFF  }
0xc4: {  	_ =	task.clear_ibuf [dreg:s9], $0x2FFFF;
	_ =	strace $0x9FFFFFFF  }
0xc5: {  	(tm) =	ssettm $0x7FFFFFFF  }
tec
execute0_lowered:
.L_overlay_start_1:
0x0: {  	(tag) =	ssettag $0x1  }
0x1: {  	s1 =	rddreg [dreg:$0x0]  }
0x2: {  	s2 =	rddreg [dreg:$0x1]  }
0x3: {  	s13 =	rddreg [dreg:$0x2];
	s3 =	simm.s32 $0x0  }
0x4: {  	[smem:$0x7FF] =	sst s3  }
0x5: {  	s0 =	rddreg [dreg:$0x3];
	s4 =	simm.s32 $0x3;
	_ =	strace $0x80000047  }
0x6: {  	[tilespmem:s3], [sflag:$0x3] =	stream.linear.gather [hbm4b:s1+s3], $0x1, $0x38;
	[tilespmem:$0x8080] =	vst v63  }
0x7: {  	_ =	swait.ge [sflag:s4], $0x1  }
0x8: {  	[sflag:s4] =	ssyncset.done $0x0  }
0x9: {  	[sflag:s4] =	ssyncadd.s32 $0xFFFFFFFF  }
0xa: {  	v0 =	vld [tilespmem:$0x0];
	_ =	sdelay $0x4  }
0xb: {  	(v2sf) =	vpush v0, $0x0;
	_ =	sdelay $0xe  }
0xc: {  	s5 =	spop (v2sf)  }
0xd: {  	s6 =	sadd.s32 $0x2, s5  }
0xe: {  	s5 =	smulhi.u32 $0x3E0F83E1, s6;
	s7 =	sshra.s32 s6, $0x1F  }
0xf: {  	s7 =	smul.u32 $0x3E0F83E1, s7;
	_ =	sdelay $0x1  }
0x10: {  	s5 =	sadd.s32 s7, s5  }
0x11: {  	s7 =	sshrl.u32 s5, $0x1F;
	s5 =	sshra.s32 s5, $0x3  }
0x12: {  	s5 =	sadd.s32 s7, s5  }
0x13: {  	s7 =	smul.u32 $0x21, s5  }
0x14: {  	s8 =	srdreg.scid  }
0x15: {  	s14 =	sand.u32 $0x1, s8;
	s5 =	stileid.u32;
	s6 =	ssub.s32 s6, s7  }
0x16: {  	s8 =	sshll.u32 s14, $0x6;
	s28 =	sshll.u32 s5, $0x7;
	s9 =	sshll.u32 s6, $0x14  }
0x17: {  	s11 =	sor.u32 s8, s28;
	p0 =	slt.s32 s6, $0x0;
	s7 =	sadd.s32 $0x2100000, s9  }
0x18: {  	s6 =	sshll.u32 s11, $0x9;
	s9 =	smov.u32 @p0 s7  }
0x19: {  	s7 =	sor.u32 $0x4000, s6;
	s29 =	sor.u32 s6, s9  }
0x1a: {  	s9 =	sor.u32 s7, s9;
	s10 =	sshrl.u32 s29, $0x3  }
0x1b: {  	s8 =	simm.s32 $0x80;
	s12 =	sshrl.u32 s9, $0x3;
	s30 =	sadd.s32 s2, s10  }
0x1c: {  	[tilespmem:s8], [sflag:$0x1] =	stream.linear.gather [hbm4b:s30+s3], $0x4000, $0x38;
	[tilespmem:$0x8080] =	vst v63  }
0x1d: {  	s9 =	simm.s32 $0x4080;
	s10 =	simm.s32 $0x1;
	s12 =	sadd.s32 s2, s12  }
0x1e: {  	[tilespmem:s9], [sflag:$0x2] =	stream.linear.gather [hbm4b:s12+s3], $0x4000, $0x38;
	[tilespmem:$0x8080] =	vst v63  }
0x1f: {  	s14 =	ssub.s32 $0x2, s14;
	_ =	swait.ge [sflag:s10], $0x4000  }
0x20: {  	s31 =	sshrl.u32 s14, $0x1;
	s11 =	sshll.u32 s11, $0x6;
	[sflag:s10] =	ssyncset.done $0x0  }
0x21: {  	s12 =	sadd.s32 s13, s11;
	s11 =	simm.s32 $0x2;
	[sflag:s10] =	ssyncadd.s32 $0xFFFFC000  }
0x22: {  	[hbm4b:s12+s3] =	stream.linear.scatter [tilespmem:s8], [sflag:$0x1], $0x4000, $0x38;
	[tilespmem:$0x8080] =	vst v63  }
0x23: {  	s14 =	ssub.s32 s14, s31;
	_ =	swait.ge [sflag:s11], $0x4000  }
0x24: {  	s14 =	smax.u32 s14, $0x1;
	s15 =	sshrl.u32 s7, $0x3;
	[sflag:s11] =	ssyncset.done $0x0  }
0x25: {  	p0 =	sne.s32 s14, $0x1;
	s13 =	sadd.s32 s13, s15;
	[sflag:s11] =	ssyncadd.s32 $0xFFFFC000  }
0x26: {  	[hbm4b:s13+s3] =	stream.linear.scatter [tilespmem:s9], [sflag:$0x2], $0x4000, $0x38;
	[tilespmem:$0x8080] =	vst v63  }
.Ltmp0:
0x27: {  	_ =	swait.ge [sflag:s10], $0x4000;
	(pc) =	sbr.rel @!p0 .LBB2_2-.Ltmp0, $4  }
0x28: {  	[sflag:s10] =	ssyncset.done $0x0  }
0x29: {  	[sflag:s10] =	ssyncadd.s32 $0xFFFFC000  }
0x2a: {  	_ =	swait.ge [sflag:s11], $0x4000  }
0x2b: {  	s14 =	sadd.s32 $0xFFFFFFFF, s14;
	[sflag:s11] =	ssyncset.done $0x0  }
.LBB2_1:
0x2c: {  	p0 =	sne.s32 s14, $0x1;
	s14 =	sadd.s32 $0xFFFFFFFF, s14;
	[sflag:s11] =	ssyncadd.s32 $0xFFFFC000  }
0x2d: {  	[tilespmem:s3], [sflag:$0x3] =	stream.linear.gather [hbm4b:s1+s3], $0x1, $0x38;
	[tilespmem:$0x8080] =	vst v63  }
0x2e: {  	_ =	swait.ge [sflag:s4], $0x1  }
0x2f: {  	[sflag:s4] =	ssyncset.done $0x0  }
0x30: {  	[sflag:s4] =	ssyncadd.s32 $0xFFFFFFFF  }
0x31: {  	v0 =	vld [tilespmem:$0x0];
	_ =	sdelay $0x4  }
0x32: {  	(v2sf) =	vpush v0, $0x0;
	_ =	sdelay $0xe  }
0x33: {  	s15 =	spop (v2sf)  }
0x34: {  	s15 =	sadd.s32 $0x2, s15  }
0x35: {  	s16 =	smulhi.u32 $0x3E0F83E1, s15;
	s17 =	sshra.s32 s15, $0x1F  }
0x36: {  	s17 =	smul.u32 $0x3E0F83E1, s17;
	_ =	sdelay $0x1  }
0x37: {  	s16 =	sadd.s32 s17, s16  }
0x38: {  	s17 =	sshrl.u32 s16, $0x1F;
	s16 =	sshra.s32 s16, $0x3  }
0x39: {  	s16 =	sadd.s32 s17, s16  }
0x3a: {  	s16 =	smul.u32 $0x21, s16;
	_ =	sdelay $0x1  }
0x3b: {  	s15 =	ssub.s32 s15, s16  }
0x3c: {  	s16 =	sshll.u32 s15, $0x14  }
0x3d: {  	p1 =	slt.s32 s15, $0x0;
	s15 =	sadd.s32 $0x2100000, s16  }
0x3e: {  	s16 =	smov.u32 @p1 s15  }
0x3f: {  	s15 =	sor.u32 s6, s16;
	s16 =	sor.u32 s7, s16  }
0x40: {  	s15 =	sshrl.u32 s15, $0x3;
	s16 =	sshrl.u32 s16, $0x3  }
0x41: {  	s15 =	sadd.s32 s2, s15  }
0x42: {  	[tilespmem:s8], [sflag:$0x1] =	stream.linear.gather [hbm4b:s15+s3], $0x4000, $0x38;
	[tilespmem:$0x8080] =	vst v63  }
0x43: {  	s15 =	sadd.s32 s2, s16  }
0x44: {  	[tilespmem:s9], [sflag:$0x2] =	stream.linear.gather [hbm4b:s15+s3], $0x4000, $0x38;
	[tilespmem:$0x8080] =	vst v63  }
0x45: {  	_ =	swait.ge [sflag:s10], $0x4000  }
0x46: {  	[sflag:s10] =	ssyncset.done $0x0  }
0x47: {  	[sflag:s10] =	ssyncadd.s32 $0xFFFFC000  }
0x48: {  	[hbm4b:s12+s3] =	stream.linear.scatter [tilespmem:s8], [sflag:$0x1], $0x4000, $0x38;
	[tilespmem:$0x8080] =	vst v63  }
0x49: {  	_ =	swait.ge [sflag:s11], $0x4000  }
0x4a: {  	[sflag:s11] =	ssyncset.done $0x0  }
0x4b: {  	[sflag:s11] =	ssyncadd.s32 $0xFFFFC000  }
0x4c: {  	[hbm4b:s13+s3] =	stream.linear.scatter [tilespmem:s9], [sflag:$0x2], $0x4000, $0x38;
	[tilespmem:$0x8080] =	vst v63  }
.Ltmp1:
0x4d: {  	_ =	swait.ge [sflag:s10], $0x4000;
	(pc) =	sbr.rel @p0 .LBB2_1-.Ltmp1, $4  }
0x4e: {  	[sflag:s10] =	ssyncset.done $0x0  }
0x4f: {  	[sflag:s10] =	ssyncadd.s32 $0xFFFFC000  }
0x50: {  	_ =	swait.ge [sflag:s11], $0x4000  }
0x51: {  	[sflag:s11] =	ssyncset.done $0x0  }
.LBB2_2:
0x52: {  	[sflag:s11] =	ssyncadd.s32 $0xFFFFC000  }
0x53: {  	_ =	sfence.sel $0x180000  }
0x54: {  	[bflag:$0x0] =	sbarrier.arrive $0xFFFF  }
0x55: {  	p0 =	sne.s32 s5, $0x0;
	_ =	strace $0x90000047  }
0x56: {  	s0 =	sadd.s32 @!p0 $0x100000, s0;
	[bflag:$0x2] =	sbarrier.arrive $0xFFFF  }
0x57: {  	[sflag:s0] =	ssyncadd.tile.s32 @!p0 $0x1;
	_ =	shalt  }
.Lfunc_end2:
_tile_overlayer_lowered:
.L_overlay_start_2:
0x58: {  	(tag) =	ssettag $0x2  }
0x59: {  	s0 =	rddreg [dreg:$0x0];
	s2 =	stileid.u32  }
0x5a: {  	s1 =	rddreg [dreg:$0x1];
	p0 =	sne.s32 s2, $0x0  }
0x5b: {  	s3 =	rddreg [dreg:$0x2];
	[bflag:$0x3] =	sbarrier.arrive $0xFFFF;
	s2 =	simm.s32 @!p0 $0x1C03  }
0x5c: {  	[timem:s3], [sflag:s2] =	dma.local @!p0 [hbm:s0], s1  }
0x5d: {  	s0 =	simm.s32 @!p0 $0x3  }
0x5e: {  	_ =	swait.ge @!p0 [sflag:s0], s1  }
0x5f: {  	s1 =	ssub.s32 @!p0 $0x0, s1;
	[sflag:s0] =	ssyncset.done @!p0 $0x0  }
0x60: {  	[sflag:s0] =	ssyncadd.s32 @!p0 s1  }
0x61: {  	[bflag:$0x3] =	sbarrier.arrive $0xFFFF  }
0x62: {  	_ =	shalt  }

</sc_bundles>
